<compile_context>
chip_gen: v7x
topology: tpu7x:2x2x1
jax: 0.10.2.dev20260603
libtpu: 0.0.44.dev20260713+nightly
codegen_flags: <defaults>
</compile_context>

<pallas_src>
import functools

import jax
import jax.numpy as jnp
from jax import lax
from jax.experimental import pallas as pl
from jax.experimental.pallas import tpu as pltpu
from jax.experimental.pallas import tpu_sc as plsc

_NUM_CORES = 2
_NUM_SUBCORES = 16
_LANES = 16


def _sc_body(B, N, F, H, W, row_hbm, col_hbm, out_hbm, col_v, row_v,
             chunk_v, plane_s, sem):
    HW = H * W
    CH = F // _NUM_SUBCORES
    core = lax.axis_index("c")
    sub = lax.axis_index("s")

    PROBE_FANOUT_ONLY = True

    pltpu.sync_copy(col_hbm, col_v)
    pltpu.sync_copy(row_hbm, row_v)

    lane = lax.iota(jnp.int32, _LANES)
    n_grp = HW // _LANES
    xidx = [(j * _LANES) % W + lane for j in range(n_grp)]
    yidx = [
        jnp.full((_LANES,), (j * _LANES) // W, jnp.int32)
        for j in range(n_grp)
    ]
    cbase = sub * CH
    if not PROBE_FANOUT_ONLY:
        for i in range(CH):
            cvec = jnp.full((_LANES,), cbase + i, jnp.int32)
            for j in range(n_grp):
                chunk_v[i, pl.ds(j * _LANES, _LANES)] = plsc.load_gather(
                    col_v, [xidx[j], cvec])
                chunk_v[CH + i, pl.ds(j * _LANES, _LANES)] = plsc.load_gather(
                    row_v, [yidx[j], cvec])

        pltpu.sync_copy(chunk_v.at[pl.ds(0, CH)],
                        plane_s.at[pl.ds(cbase, CH)])
        pltpu.sync_copy(chunk_v.at[pl.ds(CH, CH)],
                        plane_s.at[pl.ds(F + cbase, CH)])
        plsc.subcore_barrier()

    half = B // _NUM_CORES
    b_out = core * half + lax.rem(sub, half)
    hs = lax.div(sub, half)
    rows = 2 * F // (_NUM_SUBCORES // half)
    pltpu.async_copy(
        plane_s.at[pl.ds(hs * rows, rows)],
        out_hbm.at[b_out, pl.ds(hs * rows, rows)],
        sem,
    ).wait()


def kernel(input, row_embed, col_embed):
    B, C, H, W = input.shape
    N, F = row_embed.shape
    CH = F // _NUM_SUBCORES
    mesh = plsc.VectorSubcoreMesh(core_axis_name="c", subcore_axis_name="s")
    k = functools.partial(
        pl.kernel,
        out_type=jax.ShapeDtypeStruct((B, 2 * F, H * W), row_embed.dtype),
        mesh=mesh,
        scratch_types=[
            pltpu.VMEM((N, F), jnp.float32),
            pltpu.VMEM((N, F), jnp.float32),
            pltpu.VMEM((2 * CH, H * W), jnp.float32),
            pltpu.VMEM_SHARED((2 * F, H * W), jnp.float32),
            pltpu.SemaphoreType.DMA,
        ],
        compiler_params=pltpu.CompilerParams(needs_layout_passes=False),
    )(functools.partial(_sc_body, B, N, F, H, W))
    out = k(row_embed, col_embed)
    return out.reshape(B, 2 * F, H, W)

# --- scband reference (transcript-rebuilt; emitter-appended) ---
"""Pipeline reference for scband-position-embedding-learned-3049426780814 (READ-ONLY COPY).

The authoritative reference and input builder live on the scoring server;
editing this copy changes nothing except your own understanding.
"""

import jax, jax.numpy as jnp
import numpy as np


def setup_inputs(seed: int = 0) -> dict:
    key = jax.random.key(seed)
    k1, k2, k3 = jax.random.split(key, 3)
    inp = jax.random.normal(k1, (16, 256, 32, 32), dtype=jnp.float32)
    # nn.Embedding default init: N(0,1)
    row_embed = jax.random.normal(k2, (50, 256), dtype=jnp.float32)
    col_embed = jax.random.normal(k3, (50, 256), dtype=jnp.float32)
    return {"input": inp, "row_embed": row_embed, "col_embed": col_embed}


def reference(input, row_embed, col_embed):
    B, C, H, W = input.shape
    i = jnp.arange(W)
    j = jnp.arange(H)
    x_embed = jnp.take(col_embed, i, axis=0)  # (W, F)
    y_embed = jnp.take(row_embed, j, axis=0)  # (H, F)
    x_rep = jnp.tile(x_embed[None, :, :], (H, 1, 1))  # (H, W, F)
    y_rep = jnp.tile(y_embed[:, None, :], (1, W, 1))  # (H, W, F)
    pos = jnp.concatenate([x_rep, y_rep], axis=-1)    # (H, W, 2F)
    pos = jnp.transpose(pos, (2, 0, 1))[None]          # (1, 2F, H, W)
    pos = jnp.tile(pos, (B, 1, 1, 1))                  # (B, 2F, H, W)
    return pos

if __name__ == "__main__":
    import jax
    _d = setup_inputs()
    print(jax.jit(kernel)(*tuple(_d.values())))

</pallas_src>

<mosaic_0001>
#map = affine_map<(d0, d1) -> (0, 0)>
#map1 = affine_map<(d0, d1) -> (0, 0, 0)>
module attributes {stable_mosaic.version = 14 : i64} {
  func.func @_sc_body(%arg0: i32, %arg1: i32, %arg2: memref<50x256xf32, #tpu.memory_space<hbm>>, %arg3: memref<50x256xf32, #tpu.memory_space<hbm>>, %arg4: memref<16x512x1024xf32, #tpu.memory_space<hbm>>, %arg5: memref<50x256xf32, #tpu.memory_space<vmem>>, %arg6: memref<50x256xf32, #tpu.memory_space<vmem>>, %arg7: memref<32x1024xf32, #tpu.memory_space<vmem>>, %arg8: memref<512x1024xf32, #tpu.memory_space<vmem_shared>>, %arg9: memref<!tpu.dma_semaphore, #tpu.memory_space<semaphore_mem>>) attributes {dimension_semantics = [#tpu.dimension_semantics<core_parallel>, #tpu.dimension_semantics<subcore_parallel>], iteration_bounds = array<i64: 2, 16>, scalar_prefetch = 0 : i64, scratch_operands = 5 : i64, tpu.core_type = #tpu.core_type<sc_vector_subcore>, window_params = [{transform_indices = #map}, {transform_indices = #map}, {transform_indices = #map1}]} {
    "tpu.region"() ({
      %run_scoped3A = tpu.sem_alloc : memref<!tpu.dma_semaphore, #tpu.memory_space<semaphore_mem>>
      tpu.enqueue_dma source(%arg3 : memref<50x256xf32, #tpu.memory_space<hbm>>) target(%arg5 : memref<50x256xf32, #tpu.memory_space<vmem>>) target_semaphore(%run_scoped3A : memref<!tpu.dma_semaphore, #tpu.memory_space<semaphore_mem>>)
      tpu.wait_dma2 semaphore(%run_scoped3A : memref<!tpu.dma_semaphore, #tpu.memory_space<semaphore_mem>>) src(%arg3 : memref<50x256xf32, #tpu.memory_space<hbm>>) dst(%arg5 : memref<50x256xf32, #tpu.memory_space<vmem>>)
      tpu.yield
    }) : () -> ()
    "tpu.region"() ({
      %run_scoped3A = tpu.sem_alloc : memref<!tpu.dma_semaphore, #tpu.memory_space<semaphore_mem>>
      tpu.enqueue_dma source(%arg2 : memref<50x256xf32, #tpu.memory_space<hbm>>) target(%arg6 : memref<50x256xf32, #tpu.memory_space<vmem>>) target_semaphore(%run_scoped3A : memref<!tpu.dma_semaphore, #tpu.memory_space<semaphore_mem>>)
      tpu.wait_dma2 semaphore(%run_scoped3A : memref<!tpu.dma_semaphore, #tpu.memory_space<semaphore_mem>>) src(%arg2 : memref<50x256xf32, #tpu.memory_space<hbm>>) dst(%arg6 : memref<50x256xf32, #tpu.memory_space<vmem>>)
      tpu.yield
    }) : () -> ()
    %iota3A = tpu.iota {dimensions = array<i32: 0>} : vector<16xi32>
    %add3A = arith.constant 0 : i32
    %add3A_0 = vector.broadcast %add3A : i32 to vector<16xi32>
    %add3A_1 = arith.addi %add3A_0, %iota3A : vector<16xi32>
    %add3A_2 = arith.constant 16 : i32
    %add3A_3 = vector.broadcast %add3A_2 : i32 to vector<16xi32>
    %add3A_4 = arith.addi %add3A_3, %iota3A : vector<16xi32>
    %add3A_5 = arith.constant 0 : i32
    %add3A_6 = vector.broadcast %add3A_5 : i32 to vector<16xi32>
    %add3A_7 = arith.addi %add3A_6, %iota3A : vector<16xi32>
    %add3A_8 = arith.constant 16 : i32
    %add3A_9 = vector.broadcast %add3A_8 : i32 to vector<16xi32>
    %add3A_10 = arith.addi %add3A_9, %iota3A : vector<16xi32>
    %add3A_11 = arith.constant 0 : i32
    %add3A_12 = vector.broadcast %add3A_11 : i32 to vector<16xi32>
    %add3A_13 = arith.addi %add3A_12, %iota3A : vector<16xi32>
    %add3A_14 = arith.constant 16 : i32
    %add3A_15 = vector.broadcast %add3A_14 : i32 to vector<16xi32>
    %add3A_16 = arith.addi %add3A_15, %iota3A : vector<16xi32>
    %add3A_17 = arith.constant 0 : i32
    %add3A_18 = vector.broadcast %add3A_17 : i32 to vector<16xi32>
    %add3A_19 = arith.addi %add3A_18, %iota3A : vector<16xi32>
    %add3A_20 = arith.constant 16 : i32
    %add3A_21 = vector.broadcast %add3A_20 : i32 to vector<16xi32>
    %add3A_22 = arith.addi %add3A_21, %iota3A : vector<16xi32>
    %add3A_23 = arith.constant 0 : i32
    %add3A_24 = vector.broadcast %add3A_23 : i32 to vector<16xi32>
    %add3A_25 = arith.addi %add3A_24, %iota3A : vector<16xi32>
    %add3A_26 = arith.constant 16 : i32
    %add3A_27 = vector.broadcast %add3A_26 : i32 to vector<16xi32>
    %add3A_28 = arith.addi %add3A_27, %iota3A : vector<16xi32>
    %add3A_29 = arith.constant 0 : i32
    %add3A_30 = vector.broadcast %add3A_29 : i32 to vector<16xi32>
    %add3A_31 = arith.addi %add3A_30, %iota3A : vector<16xi32>
    %add3A_32 = arith.constant 16 : i32
    %add3A_33 = vector.broadcast %add3A_32 : i32 to vector<16xi32>
    %add3A_34 = arith.addi %add3A_33, %iota3A : vector<16xi32>
    %add3A_35 = arith.constant 0 : i32
    %add3A_36 = vector.broadcast %add3A_35 : i32 to vector<16xi32>
    %add3A_37 = arith.addi %add3A_36, %iota3A : vector<16xi32>
    %add3A_38 = arith.constant 16 : i32
    %add3A_39 = vector.broadcast %add3A_38 : i32 to vector<16xi32>
    %add3A_40 = arith.addi %add3A_39, %iota3A : vector<16xi32>
    %add3A_41 = arith.constant 0 : i32
    %add3A_42 = vector.broadcast %add3A_41 : i32 to vector<16xi32>
    %add3A_43 = arith.addi %add3A_42, %iota3A : vector<16xi32>
    %add3A_44 = arith.constant 16 : i32
    %add3A_45 = vector.broadcast %add3A_44 : i32 to vector<16xi32>
    %add3A_46 = arith.addi %add3A_45, %iota3A : vector<16xi32>
    %add3A_47 = arith.constant 0 : i32
    %add3A_48 = vector.broadcast %add3A_47 : i32 to vector<16xi32>
    %add3A_49 = arith.addi %add3A_48, %iota3A : vector<16xi32>
    %add3A_50 = arith.constant 16 : i32
    %add3A_51 = vector.broadcast %add3A_50 : i32 to vector<16xi32>
    %add3A_52 = arith.addi %add3A_51, %iota3A : vector<16xi32>
    %add3A_53 = arith.constant 0 : i32
    %add3A_54 = vector.broadcast %add3A_53 : i32 to vector<16xi32>
    %add3A_55 = arith.addi %add3A_54, %iota3A : vector<16xi32>
    %add3A_56 = arith.constant 16 : i32
    %add3A_57 = vector.broadcast %add3A_56 : i32 to vector<16xi32>
    %add3A_58 = arith.addi %add3A_57, %iota3A : vector<16xi32>
    %add3A_59 = arith.constant 0 : i32
    %add3A_60 = vector.broadcast %add3A_59 : i32 to vector<16xi32>
    %add3A_61 = arith.addi %add3A_60, %iota3A : vector<16xi32>
    %add3A_62 = arith.constant 16 : i32
    %add3A_63 = vector.broadcast %add3A_62 : i32 to vector<16xi32>
    %add3A_64 = arith.addi %add3A_63, %iota3A : vector<16xi32>
    %add3A_65 = arith.constant 0 : i32
    %add3A_66 = vector.broadcast %add3A_65 : i32 to vector<16xi32>
    %add3A_67 = arith.addi %add3A_66, %iota3A : vector<16xi32>
    %add3A_68 = arith.constant 16 : i32
    %add3A_69 = vector.broadcast %add3A_68 : i32 to vector<16xi32>
    %add3A_70 = arith.addi %add3A_69, %iota3A : vector<16xi32>
    %add3A_71 = arith.constant 0 : i32
    %add3A_72 = vector.broadcast %add3A_71 : i32 to vector<16xi32>
    %add3A_73 = arith.addi %add3A_72, %iota3A : vector<16xi32>
    %add3A_74 = arith.constant 16 : i32
    %add3A_75 = vector.broadcast %add3A_74 : i32 to vector<16xi32>
    %add3A_76 = arith.addi %add3A_75, %iota3A : vector<16xi32>
    %add3A_77 = arith.constant 0 : i32
    %add3A_78 = vector.broadcast %add3A_77 : i32 to vector<16xi32>
    %add3A_79 = arith.addi %add3A_78, %iota3A : vector<16xi32>
    %add3A_80 = arith.constant 16 : i32
    %add3A_81 = vector.broadcast %add3A_80 : i32 to vector<16xi32>
    %add3A_82 = arith.addi %add3A_81, %iota3A : vector<16xi32>
    %add3A_83 = arith.constant 0 : i32
    %add3A_84 = vector.broadcast %add3A_83 : i32 to vector<16xi32>
    %add3A_85 = arith.addi %add3A_84, %iota3A : vector<16xi32>
    %add3A_86 = arith.constant 16 : i32
    %add3A_87 = vector.broadcast %add3A_86 : i32 to vector<16xi32>
    %add3A_88 = arith.addi %add3A_87, %iota3A : vector<16xi32>
    %add3A_89 = arith.constant 0 : i32
    %add3A_90 = vector.broadcast %add3A_89 : i32 to vector<16xi32>
    %add3A_91 = arith.addi %add3A_90, %iota3A : vector<16xi32>
    %add3A_92 = arith.constant 16 : i32
    %add3A_93 = vector.broadcast %add3A_92 : i32 to vector<16xi32>
    %add3A_94 = arith.addi %add3A_93, %iota3A : vector<16xi32>
    %add3A_95 = arith.constant 0 : i32
    %add3A_96 = vector.broadcast %add3A_95 : i32 to vector<16xi32>
    %add3A_97 = arith.addi %add3A_96, %iota3A : vector<16xi32>
    %add3A_98 = arith.constant 16 : i32
    %add3A_99 = vector.broadcast %add3A_98 : i32 to vector<16xi32>
    %add3A_100 = arith.addi %add3A_99, %iota3A : vector<16xi32>
    %add3A_101 = arith.constant 0 : i32
    %add3A_102 = vector.broadcast %add3A_101 : i32 to vector<16xi32>
    %add3A_103 = arith.addi %add3A_102, %iota3A : vector<16xi32>
    %add3A_104 = arith.constant 16 : i32
    %add3A_105 = vector.broadcast %add3A_104 : i32 to vector<16xi32>
    %add3A_106 = arith.addi %add3A_105, %iota3A : vector<16xi32>
    %add3A_107 = arith.constant 0 : i32
    %add3A_108 = vector.broadcast %add3A_107 : i32 to vector<16xi32>
    %add3A_109 = arith.addi %add3A_108, %iota3A : vector<16xi32>
    %add3A_110 = arith.constant 16 : i32
    %add3A_111 = vector.broadcast %add3A_110 : i32 to vector<16xi32>
    %add3A_112 = arith.addi %add3A_111, %iota3A : vector<16xi32>
    %add3A_113 = arith.constant 0 : i32
    %add3A_114 = vector.broadcast %add3A_113 : i32 to vector<16xi32>
    %add3A_115 = arith.addi %add3A_114, %iota3A : vector<16xi32>
    %add3A_116 = arith.constant 16 : i32
    %add3A_117 = vector.broadcast %add3A_116 : i32 to vector<16xi32>
    %add3A_118 = arith.addi %add3A_117, %iota3A : vector<16xi32>
    %add3A_119 = arith.constant 0 : i32
    %add3A_120 = vector.broadcast %add3A_119 : i32 to vector<16xi32>
    %add3A_121 = arith.addi %add3A_120, %iota3A : vector<16xi32>
    %add3A_122 = arith.constant 16 : i32
    %add3A_123 = vector.broadcast %add3A_122 : i32 to vector<16xi32>
    %add3A_124 = arith.addi %add3A_123, %iota3A : vector<16xi32>
    %add3A_125 = arith.constant 0 : i32
    %add3A_126 = vector.broadcast %add3A_125 : i32 to vector<16xi32>
    %add3A_127 = arith.addi %add3A_126, %iota3A : vector<16xi32>
    %add3A_128 = arith.constant 16 : i32
    %add3A_129 = vector.broadcast %add3A_128 : i32 to vector<16xi32>
    %add3A_130 = arith.addi %add3A_129, %iota3A : vector<16xi32>
    %add3A_131 = arith.constant 0 : i32
    %add3A_132 = vector.broadcast %add3A_131 : i32 to vector<16xi32>
    %add3A_133 = arith.addi %add3A_132, %iota3A : vector<16xi32>
    %add3A_134 = arith.constant 16 : i32
    %add3A_135 = vector.broadcast %add3A_134 : i32 to vector<16xi32>
    %add3A_136 = arith.addi %add3A_135, %iota3A : vector<16xi32>
    %add3A_137 = arith.constant 0 : i32
    %add3A_138 = vector.broadcast %add3A_137 : i32 to vector<16xi32>
    %add3A_139 = arith.addi %add3A_138, %iota3A : vector<16xi32>
    %add3A_140 = arith.constant 16 : i32
    %add3A_141 = vector.broadcast %add3A_140 : i32 to vector<16xi32>
    %add3A_142 = arith.addi %add3A_141, %iota3A : vector<16xi32>
    %add3A_143 = arith.constant 0 : i32
    %add3A_144 = vector.broadcast %add3A_143 : i32 to vector<16xi32>
    %add3A_145 = arith.addi %add3A_144, %iota3A : vector<16xi32>
    %add3A_146 = arith.constant 16 : i32
    %add3A_147 = vector.broadcast %add3A_146 : i32 to vector<16xi32>
    %add3A_148 = arith.addi %add3A_147, %iota3A : vector<16xi32>
    %add3A_149 = arith.constant 0 : i32
    %add3A_150 = vector.broadcast %add3A_149 : i32 to vector<16xi32>
    %add3A_151 = arith.addi %add3A_150, %iota3A : vector<16xi32>
    %add3A_152 = arith.constant 16 : i32
    %add3A_153 = vector.broadcast %add3A_152 : i32 to vector<16xi32>
    %add3A_154 = arith.addi %add3A_153, %iota3A : vector<16xi32>
    %add3A_155 = arith.constant 0 : i32
    %add3A_156 = vector.broadcast %add3A_155 : i32 to vector<16xi32>
    %add3A_157 = arith.addi %add3A_156, %iota3A : vector<16xi32>
    %add3A_158 = arith.constant 16 : i32
    %add3A_159 = vector.broadcast %add3A_158 : i32 to vector<16xi32>
    %add3A_160 = arith.addi %add3A_159, %iota3A : vector<16xi32>
    %add3A_161 = arith.constant 0 : i32
    %add3A_162 = vector.broadcast %add3A_161 : i32 to vector<16xi32>
    %add3A_163 = arith.addi %add3A_162, %iota3A : vector<16xi32>
    %add3A_164 = arith.constant 16 : i32
    %add3A_165 = vector.broadcast %add3A_164 : i32 to vector<16xi32>
    %add3A_166 = arith.addi %add3A_165, %iota3A : vector<16xi32>
    %add3A_167 = arith.constant 0 : i32
    %add3A_168 = vector.broadcast %add3A_167 : i32 to vector<16xi32>
    %add3A_169 = arith.addi %add3A_168, %iota3A : vector<16xi32>
    %add3A_170 = arith.constant 16 : i32
    %add3A_171 = vector.broadcast %add3A_170 : i32 to vector<16xi32>
    %add3A_172 = arith.addi %add3A_171, %iota3A : vector<16xi32>
    %add3A_173 = arith.constant 0 : i32
    %add3A_174 = vector.broadcast %add3A_173 : i32 to vector<16xi32>
    %add3A_175 = arith.addi %add3A_174, %iota3A : vector<16xi32>
    %add3A_176 = arith.constant 16 : i32
    %add3A_177 = vector.broadcast %add3A_176 : i32 to vector<16xi32>
    %add3A_178 = arith.addi %add3A_177, %iota3A : vector<16xi32>
    %add3A_179 = arith.constant 0 : i32
    %add3A_180 = vector.broadcast %add3A_179 : i32 to vector<16xi32>
    %add3A_181 = arith.addi %add3A_180, %iota3A : vector<16xi32>
    %add3A_182 = arith.constant 16 : i32
    %add3A_183 = vector.broadcast %add3A_182 : i32 to vector<16xi32>
    %add3A_184 = arith.addi %add3A_183, %iota3A : vector<16xi32>
    %add3A_185 = arith.constant 0 : i32
    %add3A_186 = vector.broadcast %add3A_185 : i32 to vector<16xi32>
    %add3A_187 = arith.addi %add3A_186, %iota3A : vector<16xi32>
    %add3A_188 = arith.constant 16 : i32
    %add3A_189 = vector.broadcast %add3A_188 : i32 to vector<16xi32>
    %add3A_190 = arith.addi %add3A_189, %iota3A : vector<16xi32>
    %broadcast_in_dim3A = arith.constant 0 : i32
    %broadcast_in_dim3A_191 = vector.broadcast %broadcast_in_dim3A : i32 to vector<16xi32>
    %broadcast_in_dim3A_192 = arith.constant 0 : i32
    %broadcast_in_dim3A_193 = vector.broadcast %broadcast_in_dim3A_192 : i32 to vector<16xi32>
    %broadcast_in_dim3A_194 = arith.constant 1 : i32
    %broadcast_in_dim3A_195 = vector.broadcast %broadcast_in_dim3A_194 : i32 to vector<16xi32>
    %broadcast_in_dim3A_196 = arith.constant 1 : i32
    %broadcast_in_dim3A_197 = vector.broadcast %broadcast_in_dim3A_196 : i32 to vector<16xi32>
    %broadcast_in_dim3A_198 = arith.constant 2 : i32
    %broadcast_in_dim3A_199 = vector.broadcast %broadcast_in_dim3A_198 : i32 to vector<16xi32>
    %broadcast_in_dim3A_200 = arith.constant 2 : i32
    %broadcast_in_dim3A_201 = vector.broadcast %broadcast_in_dim3A_200 : i32 to vector<16xi32>
    %broadcast_in_dim3A_202 = arith.constant 3 : i32
    %broadcast_in_dim3A_203 = vector.broadcast %broadcast_in_dim3A_202 : i32 to vector<16xi32>
    %broadcast_in_dim3A_204 = arith.constant 3 : i32
    %broadcast_in_dim3A_205 = vector.broadcast %broadcast_in_dim3A_204 : i32 to vector<16xi32>
    %broadcast_in_dim3A_206 = arith.constant 4 : i32
    %broadcast_in_dim3A_207 = vector.broadcast %broadcast_in_dim3A_206 : i32 to vector<16xi32>
    %broadcast_in_dim3A_208 = arith.constant 4 : i32
    %broadcast_in_dim3A_209 = vector.broadcast %broadcast_in_dim3A_208 : i32 to vector<16xi32>
    %broadcast_in_dim3A_210 = arith.constant 5 : i32
    %broadcast_in_dim3A_211 = vector.broadcast %broadcast_in_dim3A_210 : i32 to vector<16xi32>
    %broadcast_in_dim3A_212 = arith.constant 5 : i32
    %broadcast_in_dim3A_213 = vector.broadcast %broadcast_in_dim3A_212 : i32 to vector<16xi32>
    %broadcast_in_dim3A_214 = arith.constant 6 : i32
    %broadcast_in_dim3A_215 = vector.broadcast %broadcast_in_dim3A_214 : i32 to vector<16xi32>
    %broadcast_in_dim3A_216 = arith.constant 6 : i32
    %broadcast_in_dim3A_217 = vector.broadcast %broadcast_in_dim3A_216 : i32 to vector<16xi32>
    %broadcast_in_dim3A_218 = arith.constant 7 : i32
    %broadcast_in_dim3A_219 = vector.broadcast %broadcast_in_dim3A_218 : i32 to vector<16xi32>
    %broadcast_in_dim3A_220 = arith.constant 7 : i32
    %broadcast_in_dim3A_221 = vector.broadcast %broadcast_in_dim3A_220 : i32 to vector<16xi32>
    %broadcast_in_dim3A_222 = arith.constant 8 : i32
    %broadcast_in_dim3A_223 = vector.broadcast %broadcast_in_dim3A_222 : i32 to vector<16xi32>
    %broadcast_in_dim3A_224 = arith.constant 8 : i32
    %broadcast_in_dim3A_225 = vector.broadcast %broadcast_in_dim3A_224 : i32 to vector<16xi32>
    %broadcast_in_dim3A_226 = arith.constant 9 : i32
    %broadcast_in_dim3A_227 = vector.broadcast %broadcast_in_dim3A_226 : i32 to vector<16xi32>
    %broadcast_in_dim3A_228 = arith.constant 9 : i32
    %broadcast_in_dim3A_229 = vector.broadcast %broadcast_in_dim3A_228 : i32 to vector<16xi32>
    %broadcast_in_dim3A_230 = arith.constant 10 : i32
    %broadcast_in_dim3A_231 = vector.broadcast %broadcast_in_dim3A_230 : i32 to vector<16xi32>
    %broadcast_in_dim3A_232 = arith.constant 10 : i32
    %broadcast_in_dim3A_233 = vector.broadcast %broadcast_in_dim3A_232 : i32 to vector<16xi32>
    %broadcast_in_dim3A_234 = arith.constant 11 : i32
    %broadcast_in_dim3A_235 = vector.broadcast %broadcast_in_dim3A_234 : i32 to vector<16xi32>
    %broadcast_in_dim3A_236 = arith.constant 11 : i32
    %broadcast_in_dim3A_237 = vector.broadcast %broadcast_in_dim3A_236 : i32 to vector<16xi32>
    %broadcast_in_dim3A_238 = arith.constant 12 : i32
    %broadcast_in_dim3A_239 = vector.broadcast %broadcast_in_dim3A_238 : i32 to vector<16xi32>
    %broadcast_in_dim3A_240 = arith.constant 12 : i32
    %broadcast_in_dim3A_241 = vector.broadcast %broadcast_in_dim3A_240 : i32 to vector<16xi32>
    %broadcast_in_dim3A_242 = arith.constant 13 : i32
    %broadcast_in_dim3A_243 = vector.broadcast %broadcast_in_dim3A_242 : i32 to vector<16xi32>
    %broadcast_in_dim3A_244 = arith.constant 13 : i32
    %broadcast_in_dim3A_245 = vector.broadcast %broadcast_in_dim3A_244 : i32 to vector<16xi32>
    %broadcast_in_dim3A_246 = arith.constant 14 : i32
    %broadcast_in_dim3A_247 = vector.broadcast %broadcast_in_dim3A_246 : i32 to vector<16xi32>
    %broadcast_in_dim3A_248 = arith.constant 14 : i32
    %broadcast_in_dim3A_249 = vector.broadcast %broadcast_in_dim3A_248 : i32 to vector<16xi32>
    %broadcast_in_dim3A_250 = arith.constant 15 : i32
    %broadcast_in_dim3A_251 = vector.broadcast %broadcast_in_dim3A_250 : i32 to vector<16xi32>
    %broadcast_in_dim3A_252 = arith.constant 15 : i32
    %broadcast_in_dim3A_253 = vector.broadcast %broadcast_in_dim3A_252 : i32 to vector<16xi32>
    %broadcast_in_dim3A_254 = arith.constant 16 : i32
    %broadcast_in_dim3A_255 = vector.broadcast %broadcast_in_dim3A_254 : i32 to vector<16xi32>
    %broadcast_in_dim3A_256 = arith.constant 16 : i32
    %broadcast_in_dim3A_257 = vector.broadcast %broadcast_in_dim3A_256 : i32 to vector<16xi32>
    %broadcast_in_dim3A_258 = arith.constant 17 : i32
    %broadcast_in_dim3A_259 = vector.broadcast %broadcast_in_dim3A_258 : i32 to vector<16xi32>
    %broadcast_in_dim3A_260 = arith.constant 17 : i32
    %broadcast_in_dim3A_261 = vector.broadcast %broadcast_in_dim3A_260 : i32 to vector<16xi32>
    %broadcast_in_dim3A_262 = arith.constant 18 : i32
    %broadcast_in_dim3A_263 = vector.broadcast %broadcast_in_dim3A_262 : i32 to vector<16xi32>
    %broadcast_in_dim3A_264 = arith.constant 18 : i32
    %broadcast_in_dim3A_265 = vector.broadcast %broadcast_in_dim3A_264 : i32 to vector<16xi32>
    %broadcast_in_dim3A_266 = arith.constant 19 : i32
    %broadcast_in_dim3A_267 = vector.broadcast %broadcast_in_dim3A_266 : i32 to vector<16xi32>
    %broadcast_in_dim3A_268 = arith.constant 19 : i32
    %broadcast_in_dim3A_269 = vector.broadcast %broadcast_in_dim3A_268 : i32 to vector<16xi32>
    %broadcast_in_dim3A_270 = arith.constant 20 : i32
    %broadcast_in_dim3A_271 = vector.broadcast %broadcast_in_dim3A_270 : i32 to vector<16xi32>
    %broadcast_in_dim3A_272 = arith.constant 20 : i32
    %broadcast_in_dim3A_273 = vector.broadcast %broadcast_in_dim3A_272 : i32 to vector<16xi32>
    %broadcast_in_dim3A_274 = arith.constant 21 : i32
    %broadcast_in_dim3A_275 = vector.broadcast %broadcast_in_dim3A_274 : i32 to vector<16xi32>
    %broadcast_in_dim3A_276 = arith.constant 21 : i32
    %broadcast_in_dim3A_277 = vector.broadcast %broadcast_in_dim3A_276 : i32 to vector<16xi32>
    %broadcast_in_dim3A_278 = arith.constant 22 : i32
    %broadcast_in_dim3A_279 = vector.broadcast %broadcast_in_dim3A_278 : i32 to vector<16xi32>
    %broadcast_in_dim3A_280 = arith.constant 22 : i32
    %broadcast_in_dim3A_281 = vector.broadcast %broadcast_in_dim3A_280 : i32 to vector<16xi32>
    %broadcast_in_dim3A_282 = arith.constant 23 : i32
    %broadcast_in_dim3A_283 = vector.broadcast %broadcast_in_dim3A_282 : i32 to vector<16xi32>
    %broadcast_in_dim3A_284 = arith.constant 23 : i32
    %broadcast_in_dim3A_285 = vector.broadcast %broadcast_in_dim3A_284 : i32 to vector<16xi32>
    %broadcast_in_dim3A_286 = arith.constant 24 : i32
    %broadcast_in_dim3A_287 = vector.broadcast %broadcast_in_dim3A_286 : i32 to vector<16xi32>
    %broadcast_in_dim3A_288 = arith.constant 24 : i32
    %broadcast_in_dim3A_289 = vector.broadcast %broadcast_in_dim3A_288 : i32 to vector<16xi32>
    %broadcast_in_dim3A_290 = arith.constant 25 : i32
    %broadcast_in_dim3A_291 = vector.broadcast %broadcast_in_dim3A_290 : i32 to vector<16xi32>
    %broadcast_in_dim3A_292 = arith.constant 25 : i32
    %broadcast_in_dim3A_293 = vector.broadcast %broadcast_in_dim3A_292 : i32 to vector<16xi32>
    %broadcast_in_dim3A_294 = arith.constant 26 : i32
    %broadcast_in_dim3A_295 = vector.broadcast %broadcast_in_dim3A_294 : i32 to vector<16xi32>
    %broadcast_in_dim3A_296 = arith.constant 26 : i32
    %broadcast_in_dim3A_297 = vector.broadcast %broadcast_in_dim3A_296 : i32 to vector<16xi32>
    %broadcast_in_dim3A_298 = arith.constant 27 : i32
    %broadcast_in_dim3A_299 = vector.broadcast %broadcast_in_dim3A_298 : i32 to vector<16xi32>
    %broadcast_in_dim3A_300 = arith.constant 27 : i32
    %broadcast_in_dim3A_301 = vector.broadcast %broadcast_in_dim3A_300 : i32 to vector<16xi32>
    %broadcast_in_dim3A_302 = arith.constant 28 : i32
    %broadcast_in_dim3A_303 = vector.broadcast %broadcast_in_dim3A_302 : i32 to vector<16xi32>
    %broadcast_in_dim3A_304 = arith.constant 28 : i32
    %broadcast_in_dim3A_305 = vector.broadcast %broadcast_in_dim3A_304 : i32 to vector<16xi32>
    %broadcast_in_dim3A_306 = arith.constant 29 : i32
    %broadcast_in_dim3A_307 = vector.broadcast %broadcast_in_dim3A_306 : i32 to vector<16xi32>
    %broadcast_in_dim3A_308 = arith.constant 29 : i32
    %broadcast_in_dim3A_309 = vector.broadcast %broadcast_in_dim3A_308 : i32 to vector<16xi32>
    %broadcast_in_dim3A_310 = arith.constant 30 : i32
    %broadcast_in_dim3A_311 = vector.broadcast %broadcast_in_dim3A_310 : i32 to vector<16xi32>
    %broadcast_in_dim3A_312 = arith.constant 30 : i32
    %broadcast_in_dim3A_313 = vector.broadcast %broadcast_in_dim3A_312 : i32 to vector<16xi32>
    %broadcast_in_dim3A_314 = arith.constant 31 : i32
    %broadcast_in_dim3A_315 = vector.broadcast %broadcast_in_dim3A_314 : i32 to vector<16xi32>
    %broadcast_in_dim3A_316 = arith.constant 31 : i32
    %broadcast_in_dim3A_317 = vector.broadcast %broadcast_in_dim3A_316 : i32 to vector<16xi32>
    %mul3A = arith.constant 16 : i32
    %mul3A_318 = arith.muli %arg1, %mul3A : i32
    %mul3A_319 = arith.constant 8 : i32
    %mul3A_320 = arith.muli %arg0, %mul3A_319 : i32
    %rem3A = arith.constant 8 : i32
    %rem3A_321 = arith.remsi %arg1, %rem3A : i32
    %add3A_322 = arith.addi %mul3A_320, %rem3A_321 : i32
    %div3A = arith.constant 8 : i32
    %div3A_323 = arith.divsi %arg1, %div3A : i32
    %mul3A_324 = arith.constant 256 : i32
    %mul3A_325 = arith.muli %div3A_323, %mul3A_324 : i32
    %mul3A_326 = arith.constant 256 : i32
    %mul3A_327 = arith.muli %div3A_323, %mul3A_326 : i32
    %dma_start3A = arith.constant 0 : i32
    %dma_start3A_328 = tpu.memref_slice %arg4[%add3A_322, %mul3A_327, %dma_start3A] : memref<16x512x1024xf32, #tpu.memory_space<hbm>> -> memref<1x256x1024xf32, #tpu.memory_space<hbm>>
    %dma_start3A_329 = tpu.memref_squeeze %dma_start3A_328 : memref<1x256x1024xf32, #tpu.memory_space<hbm>> -> memref<256x1024xf32, #tpu.memory_space<hbm>>
    %dma_start3A_330 = arith.constant 0 : i32
    %dma_start3A_331 = tpu.memref_slice %arg8[%mul3A_325, %dma_start3A_330] : memref<512x1024xf32, #tpu.memory_space<vmem_shared>> -> memref<256x1024xf32, #tpu.memory_space<vmem_shared>>
    tpu.enqueue_dma source(%dma_start3A_331 : memref<256x1024xf32, #tpu.memory_space<vmem_shared>>) target(%dma_start3A_329 : memref<256x1024xf32, #tpu.memory_space<hbm>>) target_semaphore(%arg9 : memref<!tpu.dma_semaphore, #tpu.memory_space<semaphore_mem>>)
    %dma_wait3A = arith.constant 0 : i32
    %dma_wait3A_332 = tpu.memref_slice %arg4[%add3A_322, %mul3A_327, %dma_wait3A] : memref<16x512x1024xf32, #tpu.memory_space<hbm>> -> memref<1x256x1024xf32, #tpu.memory_space<hbm>>
    %dma_wait3A_333 = tpu.memref_squeeze %dma_wait3A_332 : memref<1x256x1024xf32, #tpu.memory_space<hbm>> -> memref<256x1024xf32, #tpu.memory_space<hbm>>
    %dma_wait3A_334 = arith.constant 0 : i32
    %dma_wait3A_335 = tpu.memref_slice %arg8[%mul3A_325, %dma_wait3A_334] : memref<512x1024xf32, #tpu.memory_space<vmem_shared>> -> memref<256x1024xf32, #tpu.memory_space<vmem_shared>>
    tpu.wait_dma2 semaphore(%arg9 : memref<!tpu.dma_semaphore, #tpu.memory_space<semaphore_mem>>) src(%dma_wait3A_335 : memref<256x1024xf32, #tpu.memory_space<vmem_shared>>) dst(%dma_wait3A_333 : memref<256x1024xf32, #tpu.memory_space<hbm>>)
    return
  }
}

</mosaic_0001>

<sc_bundles>
// kernel: kernel.3.cloned.1.call-start
scs
__scs_entry_jumppad:
0x0: {  	(pc) =	sbr.rel $0x88, $3  }
0x1: {  	(tag) =	ssettag $0x0;
	lr =	simm.s32 $0x1  }
0x2: {  	[smem:$0x3F9F] =	sst lr;
	_ =	strace $0xD0000000  }
0x3: {  	_ = 	snop  }
0x4: {  	_ = 	snop  }
0x5: {  	_ = 	snop  }
0x6: {  	_ = 	snop  }
0x7: {  	_ = 	snop  }
__scs_overlays_trampoline_lowered:
0x8: {  	[smem:$0x3FAE] =	sst s0  }
0x9: {  	[smem:$0x3FAF] =	sst s1  }
0xa: {  	[smem:$0x3FB0] =	sst s2  }
0xb: {  	[smem:$0x3FB1] =	sst s3  }
0xc: {  	[smem:$0x3FB2] =	sst s4  }
0xd: {  	[smem:$0x3FB3] =	sst s5  }
0xe: {  	[smem:$0x3FB4] =	sst s6  }
0xf: {  	[smem:$0x3FB5] =	sst s7  }
0x10: {  	[smem:$0x3FB6] =	sst s8  }
0x11: {  	[smem:$0x3FB7] =	sst s9;
	s0 =	simm.s32 @!p0 $0x0  }
0x12: {  	s1 =	sld [smem:$0x3F9D];
	s0 =	simm.s32 @p0 $0x1  }
0x13: {  	[smem:$0x3FB8] =	sst s0;
	s0 =	simm.s32 @!p1 $0x0  }
0x14: {  	s2 =	sld [smem:$0x3F9C];
	s0 =	simm.s32 @p1 $0x1  }
0x15: {  	[smem:$0x3FB9] =	sst s0;
	s0 =	simm.s32 @!p2 $0x0  }
0x16: {  	s3 =	sld [smem:$0x3FDB];
	s0 =	simm.s32 @p2 $0x1  }
0x17: {  	s4 =	simm.s32 $0x1BF5;
	[smem:$0x3FBB] =	sst s0  }
0x18: {  	s0 =	sld [smem:$0x3F9E];
	_ =	swait.ge [sflag:s4], $0x0  }
0x19: {  	s7 =	sld [smem:$0x3F9F]  }
0x1a: {  	s8 =	sadd.s32 $0xFFFFE003, lr  }
0x1b: {  	s9 =	sadd.s32 $0xFFFFFEF7, lr;
	s5 =	simm.s32 $0xFFFFFFFF;
	p2 =	slt.u32 s8, $0xFFFFF086  }
0x1c: {  	p1 =	slt.u32 s9, $0xF7A;
	s5 =	simm.s32 @!p2 $0x0  }
0x1d: {  	s5 =	simm.s32 @p1 $0x1;
	p0 =	seq.s32 s7, s2  }
0x1e: {  	s7 =	smul.u32 @!p0 $0xF7A, s2;
	p2 =	seq.s32 @!p0 s5, $0x0  }
0x1f: {  	s9 =	smul.u32 $0xF7A, s1;
	s8 =	simm.s32 @!p0 $0x1BF5;
	p2 =	por !p2, p0  }
0x20: {  	[sflag:s8] =	ssyncset.s32 @!p0 $0xFFFFF086;
	s6 =	sadd.s32 @!p0 s3, s7;
	s7 =	simm.s32 @!p0 $0x108  }
0x21: {  	s3 =	sadd.s32 s3, s9;
	s6 =	sadd.s32 @!p0 $0x88, s6;
	s7 =	simm.s32 @p2 $0x1082  }
0x22: {  	[simem:s7], [sflag:s8] =	dma.local @!p0 [hbm:s6], $0xF7A  }
0x23: {  	s9 =	sor.u32 $0xD0000000, s2;
	s6 =	simm.s32 $0x108;
	_ =	swait.ge @!p0 [sflag:s8], $0x0  }
0x24: {  	s3 =	sadd.s32 $0x88, s3;
	s6 =	simm.s32 @!p1 $0x1082;
	[sflag:s4] =	ssyncset.s32 $0xFFFFF086  }
0x25: {  	[simem:s6], [sflag:s4] =	dma.local [hbm:s3], $0xF7A  }
0x26: {  	[smem:$0x3F9F] =	sst s1;
	(tag) =	ssettag s2;
	_ =	strace s9  }
0x27: {  	s1 =	sld [smem:$0x3FAF]  }
0x28: {  	s2 =	sld [smem:$0x3FB0]  }
0x29: {  	s4 =	sld [smem:$0x3FB2]  }
0x2a: {  	p0 =	seq.s32 s5, $0x0;
	s5 =	sld [smem:$0x3FB3]  }
0x2b: {  	s6 =	sld [smem:$0x3FB4]  }
0x2c: {  	s7 =	sld [smem:$0x3FB5]  }
0x2d: {  	s3 =	simm.s32 $0x108;
	s8 =	sld [smem:$0x3FB6]  }
0x2e: {  	s3 =	simm.s32 @!p0 $0x1082;
	s9 =	sld [smem:$0x3FB7]  }
0x2f: {  	lr =	sadd.s32 s0, s3;
	s0 =	sld [smem:$0x3FAE]  }
0x30: {  	s3 =	sld [smem:$0x3FB1]  }
0x31: {  	[smem:$0x3FBA] =	sst s10  }
0x32: {  	s10 =	sld [smem:$0x3FB8];
	_ =	sdelay $0x3  }
0x33: {  	p0 =	seq.s32 s10, $0x1;
	s10 =	sld [smem:$0x3FBA];
	_ =	sdelay $0x3  }
0x34: {  	[smem:$0x3FBA] =	sst s10  }
0x35: {  	s10 =	sld [smem:$0x3FB9];
	_ =	sdelay $0x3  }
0x36: {  	p1 =	seq.s32 s10, $0x1;
	s10 =	sld [smem:$0x3FBA];
	_ =	sdelay $0x3  }
0x37: {  	[smem:$0x3FBA] =	sst s10  }
0x38: {  	s10 =	sld [smem:$0x3FBB]  }
0x39: {  	_ = 	snop;
	(pc) =	sbr.ind lr, $3  }
0x3a: {  	_ = 	snop  }
0x3b: {  	_ = 	snop  }
0x3c: {  	p2 =	seq.s32 s10, $0x1;
	s10 =	sld [smem:$0x3FBA]  }
0x3d: {  	_ =	shalt  }
0x3e: {  	_ =	shalt  }
0x3f: {  	_ =	shalt  }
0x40: {  	_ =	shalt  }
0x41: {  	_ =	shalt  }
0x42: {  	_ =	shalt  }
0x43: {  	_ =	shalt  }
0x44: {  	_ =	shalt  }
0x45: {  	_ =	shalt  }
0x46: {  	_ =	shalt  }
0x47: {  	_ =	shalt  }
0x48: {  	_ =	shalt  }
0x49: {  	_ =	shalt  }
0x4a: {  	_ =	shalt  }
0x4b: {  	_ =	shalt  }
0x4c: {  	_ =	shalt  }
0x4d: {  	_ =	shalt  }
0x4e: {  	_ =	shalt  }
0x4f: {  	_ =	shalt  }
0x50: {  	_ =	shalt  }
0x51: {  	_ =	shalt  }
0x52: {  	_ =	shalt  }
0x53: {  	_ =	shalt  }
0x54: {  	_ =	shalt  }
0x55: {  	_ =	shalt  }
0x56: {  	_ =	shalt  }
0x57: {  	_ =	shalt  }
0x58: {  	_ =	shalt  }
0x59: {  	_ =	shalt  }
0x5a: {  	_ =	shalt  }
0x5b: {  	_ =	shalt  }
0x5c: {  	_ =	shalt  }
0x5d: {  	_ =	shalt  }
0x5e: {  	_ =	shalt  }
0x5f: {  	_ =	shalt  }
0x60: {  	_ =	shalt  }
0x61: {  	_ =	shalt  }
0x62: {  	_ =	shalt  }
0x63: {  	_ =	shalt  }
0x64: {  	_ =	shalt  }
0x65: {  	_ =	shalt  }
0x66: {  	_ =	shalt  }
0x67: {  	_ =	shalt  }
0x68: {  	_ =	shalt  }
0x69: {  	_ =	shalt  }
0x6a: {  	_ =	shalt  }
0x6b: {  	_ =	shalt  }
0x6c: {  	_ =	shalt  }
0x6d: {  	_ =	shalt  }
0x6e: {  	_ =	shalt  }
0x6f: {  	_ =	shalt  }
0x70: {  	_ =	shalt  }
0x71: {  	_ =	shalt  }
0x72: {  	_ =	shalt  }
0x73: {  	_ =	shalt  }
0x74: {  	_ =	shalt  }
0x75: {  	_ =	shalt  }
0x76: {  	_ =	shalt  }
0x77: {  	_ =	shalt  }
0x78: {  	_ =	shalt  }
0x79: {  	_ =	shalt  }
0x7a: {  	_ =	shalt  }
0x7b: {  	_ =	shalt  }
0x7c: {  	_ =	shalt  }
0x7d: {  	_ =	shalt  }
0x7e: {  	_ =	shalt  }
0x7f: {  	_ =	shalt  }
0x80: {  	_ =	shalt  }
0x81: {  	_ =	shalt  }
0x82: {  	_ =	shalt  }
0x83: {  	_ =	shalt  }
0x84: {  	_ =	shalt  }
0x85: {  	_ =	shalt  }
0x86: {  	_ =	shalt  }
0x87: {  	_ =	shalt  }
.Lfunc_end0:
.L_simem_size_0:
called_computation_lowered:
.L_overlay_start_0:
0x88: {  	s2 =	sld [smem:$0x3FD9]  }
0x89: {  	s3 =	sld [smem:$0x3FFE];
	_ =	sdelay $0x1  }
0x8a: {  	s1 =	srdreg.scid  }
0x8b: {  	s0 =	sand.u32 $0x1, s1  }
0x8c: {  	s17 =	sshll.u32 s0, $0xA;
	s2 =	sadd.s32 s3, s2  }
0x8d: {  	s2 =	sadd.s32 s2, s17  }
0x8e: {  	[smem:$0x3FC6] =	sst s2  }
0x8f: {  	_ = 	snop  }
0x90: {  	s2 =	sld [smem:$0x3FC9]  }
0x91: {  	s18 =	sld [smem:$0x3FC8];
	(tm) =	ssettm $0x1  }
0x92: {  	s4 =	sld [smem:$0x3FFB];
	_ =	sdelay $0x3  }
0x93: {  	_ =	strace s4  }
0x94: {  	s4 =	sld [smem:$0x3FFC];
	_ =	sdelay $0x3  }
0x95: {  	_ =	strace s4  }
0x96: {  	s4 =	sld [smem:$0x3FFD];
	_ =	sdelay $0x3  }
0x97: {  	_ =	strace s4  }
0x98: {  	_ =	strace $0x8FFFFFFF  }
0x99: {  	s19 =	sld [smem:$0x3FDB];
	_ =	sdelay $0x1  }
0x9a: {  	s5 =	simm.s32 $_scs_section_size  }
0x9b: {  	s6 =	simm.s32 $_size__tile_overlayer_lowered;
	s7 =	simm.s32 $_tile_overlayer_lowered  }
0x9c: {  	s22 =	simm.s32 $0x1BFF;
	s21 =	sshll.u32 s7, $0x1;
	s4 =	sadd.s32 s5, s19  }
0x9d: {  	s8 =	simm.s32 $0x0;
	s20 =	sshll.u32 s6, $0x1;
	s6 =	sadd.s32 s21, s4  }
0x9e: {  	[timem:s8], [sflag:s22] =	dma.local [hbm:s6], s20  }
0x9f: {  	_ =	swait.ge [sflag:s22], s20  }
0xa0: {  	s5 =	ssub.s32 $0x0, s20;
	[sflag:s22] =	ssyncset.done $0x0  }
0xa1: {  	[sflag:s22] =	ssyncadd.s32 s5;
	_ =	sdelay $0x1  }
0xa2: {  	s23 =	simm.s32 $0x1B8B  }
0xa3: {  	_ =	swait.ge [sflag:s23], $0x1  }
0xa4: {  	[sflag:s23] =	ssyncset.done $0x0  }
0xa5: {  	s25 =	simm.s32 $0x1B8E;
	s24 =	sld [smem:$0x3FFE];
	[sflag:s23] =	ssyncadd.s32 $0xFFFFFFFF  }
0xa6: {  	s26 =	simm.s32 $execute0_lowered;
	[smem:$0x3FD2] =	sst s25  }
0xa7: {  	s6 =	sshll.u32 s26, $0x1;
	_ =	strace $0x80000046;
	[dreg:$0x1] =	wrdreg $0xFFFFFFFF  }
0xa8: {  	s28 =	simm.s32 $_size_execute0_lowered;
	s4 =	sadd.s32 s4, s6;
	[dreg:$0x0] =	wrdreg $0x0  }
0xa9: {  	s6 =	sshll.u32 s28, $0x1;
	[dreg:$0x2] =	wrdreg s4  }
0xaa: {  	[dreg:$0x3] =	wrdreg s6  }
0xab: {  	[dreg:$0x4] =	wrdreg $0xC0  }
0xac: {  	_ =	task [dreg:s8], $0x5FFFF  }
0xad: {  	[dreg:$0x1] =	wrdreg $0xFFFFFFFF  }
0xae: {  	[dreg:$0x0] =	wrdreg $0x60  }
0xaf: {  	[dreg:$0x2] =	wrdreg s2  }
0xb0: {  	[dreg:$0x3] =	wrdreg s18  }
0xb1: {  	[dreg:$0x4] =	wrdreg s24  }
0xb2: {  	[dreg:$0x5] =	wrdreg $0x70000  }
0xb3: {  	[dreg:$0x6] =	wrdreg $0x9  }
0xb4: {  	_ =	task.clear_ibuf [dreg:s8], $0x7FFFF;
	_ =	strace $0x90000046  }
0xb5: {  	s29 =	simm.s32 $0x9;
	_ =	strace $0x80000048  }
0xb6: {  	_ =	swait.ge [sflag:s29], $0x1  }
0xb7: {  	[sflag:s29] =	ssyncadd.s32 $0xFFFFFFFF  }
0xb8: {  	_ =	strace $0x90000048  }
0xb9: {  	_ =	sfence  }
0xba: {  	s30 =	sld [smem:$0x0];
	_ =	sdelay $0x2  }
0xbb: {  	s31 =	sshll.u32 s1, $0xD;
	s1 =	sshrl.u32 s1, $0x2  }
0xbc: {  	s3 =	sand.u32 $0x4000, s31;
	s1 =	sadd.s32 s1, s30  }
0xbd: {  	s0 =	sor.u32 s3, s0;
	s1 =	sshll.u32 s1, $0x11  }
0xbe: {  	s0 =	sor.u32 s1, s0  }
0xbf: {  	s0 =	sadd.s32 $0x8F2B, s0  }
0xc0: {  	[sflag:s0] =	ssyncadd.remote.s32 $0x1  }
0xc1: {  	_ =	sfence.sel $0xFFFF  }
0xc2: {  	[dreg:$0x0] =	wrdreg $0xFFFFFFFF;
	(pc) =	sbr.abs _section_cstart, $3  }
0xc3: {  	[dreg:$0x1] =	wrdreg $0xFFFFFFFF  }
0xc4: {  	_ =	task.clear_ibuf [dreg:s8], $0x2FFFF;
	_ =	strace $0x9FFFFFFF  }
0xc5: {  	(tm) =	ssettm $0x7FFFFFFF  }
tec
execute0_lowered:
.L_overlay_start_1:
0x0: {  	(tag) =	ssettag $0x1  }
0x1: {  	s1 =	rddreg [dreg:$0x0]  }
0x2: {  	s2 =	rddreg [dreg:$0x1]  }
0x3: {  	s6 =	rddreg [dreg:$0x2]  }
0x4: {  	s8 =	rddreg [dreg:$0x3]  }
0x5: {  	s0 =	rddreg [dreg:$0x4];
	s4 =	simm.s32 $0x0;
	s5 =	srdreg.scid  }
0x6: {  	s3 =	stileid.u32;
	[smem:$0x7FF] =	sst s4;
	s5 =	sand.u32 $0x1, s5  }
0x7: {  	s7 =	sshll.u32 s3, $0x13;
	s10 =	sshll.u32 s3, $0xF;
	s31 =	sshll.u32 s3, $0x6  }
0x8: {  	s9 =	sshll.u32 s5, $0x16;
	s7 =	sand.u32 $0x380000, s7;
	_ =	strace $0x80000047  }
0x9: {  	s29 =	sand.u32 $0x40000, s10;
	s30 =	ssub.s32 $0x2, s5;
	s5 =	simm.s32 $0x2  }
0xa: {  	[tilespmem:s4], [sflag:$0x2] =	stream.linear.gather [hbm4b:s2+s4], $0x3800, $0x38;
	[tilespmem:$0xF000] =	vst v63  }
0xb: {  	s7 =	sor.u32 s9, s7;
	s11 =	sshrl.u32 s30, $0x1;
	s9 =	sadd.s32 s29, s8  }
0xc: {  	s7 =	sor.u32 s29, s7;
	_ =	swait.ge [sflag:s5], $0x3800;
	s10 =	ssub.s32 s30, s11  }
0xd: {  	s7 =	sshrl.u32 s7, $0x3;
	[sflag:s5] =	ssyncset.done $0x0;
	s11 =	smax.u32 s10, $0x1  }
0xe: {  	s6 =	sadd.s32 s7, s6;
	s7 =	simm.s32 $0x3800;
	[sflag:s5] =	ssyncadd.s32 $0xFFFFC800  }
0xf: {  	[tilespmem:s7], [sflag:$0x2] =	stream.linear.gather [hbm4b:s1+s4], $0x3800, $0x38;
	[tilespmem:$0xF000] =	vst v63  }
0x10: {  	s8 =	sor.u32 $0x1C01, s31;
	p0 =	sne.s32 s11, $0x1;
	_ =	swait.ge [sflag:s5], $0x3800  }
.Ltmp0:
0x11: {  	s10 =	sshrl.u32 s9, $0x3;
	[sflag:s5] =	ssyncset.done $0x0;
	(pc) =	sbr.rel @!p0 .LBB2_2-.Ltmp0, $4  }
0x12: {  	s9 =	simm.s32 $0x1;
	s6 =	sadd.s32 $0x400, s6;
	[sflag:s5] =	ssyncadd.s32 $0xFFFFC800  }
0x13: {  	[hbm:s6], [sflag:s8] =	dma.local [spmem:s10], $0x8000  }
0x14: {  	_ =	swait.ge [sflag:s9], $0x8000  }
0x15: {  	s11 =	sadd.s32 $0xFFFFFFFF, s11;
	[sflag:s9] =	ssyncset.done $0x0  }
.LBB2_1:
0x16: {  	p0 =	sne.s32 s11, $0x1;
	s11 =	sadd.s32 $0xFFFFFFFF, s11;
	[sflag:s9] =	ssyncadd.s32 $0xFFFF8000  }
0x17: {  	[tilespmem:s4], [sflag:$0x2] =	stream.linear.gather [hbm4b:s2+s4], $0x3800, $0x38;
	[tilespmem:$0xF000] =	vst v63  }
0x18: {  	_ =	swait.ge [sflag:s5], $0x3800  }
0x19: {  	[sflag:s5] =	ssyncset.done $0x0  }
0x1a: {  	[sflag:s5] =	ssyncadd.s32 $0xFFFFC800  }
0x1b: {  	[tilespmem:s7], [sflag:$0x2] =	stream.linear.gather [hbm4b:s1+s4], $0x3800, $0x38;
	[tilespmem:$0xF000] =	vst v63  }
0x1c: {  	_ =	swait.ge [sflag:s5], $0x3800  }
.Ltmp1:
0x1d: {  	[sflag:s5] =	ssyncset.done $0x0;
	(pc) =	sbr.rel @p0 .LBB2_1-.Ltmp1, $4  }
0x1e: {  	[sflag:s5] =	ssyncadd.s32 $0xFFFFC800  }
0x1f: {  	[hbm:s6], [sflag:s8] =	dma.local [spmem:s10], $0x8000  }
0x20: {  	_ =	swait.ge [sflag:s9], $0x8000  }
0x21: {  	[sflag:s9] =	ssyncset.done $0x0  }
.LBB2_2:
0x22: {  	[sflag:s9] =	ssyncadd.s32 $0xFFFF8000  }
0x23: {  	_ =	sfence.sel $0x180000  }
0x24: {  	[bflag:$0x0] =	sbarrier.arrive $0xFFFF  }
0x25: {  	p0 =	sne.s32 s3, $0x0;
	_ =	strace $0x90000047  }
0x26: {  	s0 =	sadd.s32 @!p0 $0x100000, s0;
	[bflag:$0x2] =	sbarrier.arrive $0xFFFF  }
0x27: {  	[sflag:s0] =	ssyncadd.tile.s32 @!p0 $0x1;
	_ =	shalt  }
.Lfunc_end2:
_tile_overlayer_lowered:
.L_overlay_start_2:
0x28: {  	(tag) =	ssettag $0x2  }
0x29: {  	s0 =	rddreg [dreg:$0x0];
	s2 =	stileid.u32  }
0x2a: {  	s1 =	rddreg [dreg:$0x1];
	p0 =	sne.s32 s2, $0x0  }
0x2b: {  	s3 =	rddreg [dreg:$0x2];
	[bflag:$0x3] =	sbarrier.arrive $0xFFFF;
	s2 =	simm.s32 @!p0 $0x1C02  }
0x2c: {  	[timem:s3], [sflag:s2] =	dma.local @!p0 [hbm:s0], s1  }
0x2d: {  	s0 =	simm.s32 @!p0 $0x2  }
0x2e: {  	_ =	swait.ge @!p0 [sflag:s0], s1  }
0x2f: {  	s1 =	ssub.s32 @!p0 $0x0, s1;
	[sflag:s0] =	ssyncset.done @!p0 $0x0  }
0x30: {  	[sflag:s0] =	ssyncadd.s32 @!p0 s1  }
0x31: {  	[bflag:$0x3] =	sbarrier.arrive $0xFFFF  }
0x32: {  	_ =	shalt  }

</sc_bundles>
